<compile_context>
chip_gen: v7x
topology: tpu7x:2x2x1
jax: 0.10.2.dev20260603
libtpu: 0.0.44.dev20260713+nightly
codegen_flags: <defaults>
</compile_context>

<pallas_src>
import functools

import jax
import jax.numpy as jnp
from jax import lax
from jax.experimental import pallas as pl
from jax.experimental.pallas import tpu as pltpu
from jax.experimental.pallas import tpu_sc as plsc

N, V, DIM = 4096, 200, 64
NC = 2
C_PER_W = 2
BV = 8
SPLIT = 96


def _sc_gather(wt_flat, eidx):
    mesh = plsc.VectorSubcoreMesh(core_axis_name="c", subcore_axis_name="s")

    @functools.partial(
        pl.kernel,
        mesh=mesh,
        out_type=jax.ShapeDtypeStruct((DIM * V,), jnp.float32),
        scratch_types=(
            [pltpu.VMEM((SPLIT,), jnp.int32) for _ in range(C_PER_W)]
            + [pltpu.VMEM((V - SPLIT,), jnp.int32) for _ in range(C_PER_W)]
            + [pltpu.VMEM((SPLIT,), jnp.float32) for _ in range(C_PER_W)]
            + [pltpu.VMEM((V - SPLIT,), jnp.float32) for _ in range(C_PER_W)]
            + [pltpu.SemaphoreType.DMA]
        ),
    )
    def gather_kernel(wt_hbm, eidx_hbm, out_hbm, *scratch):
        idx_a = scratch[0:C_PER_W]
        idx_b = scratch[C_PER_W:2 * C_PER_W]
        row_a = scratch[2 * C_PER_W:3 * C_PER_W]
        row_b = scratch[3 * C_PER_W:4 * C_PER_W]
        sem = scratch[4 * C_PER_W]
        wid = lax.axis_index("s") * NC + lax.axis_index("c")
        for k in range(C_PER_W):
            base = (wid * C_PER_W + k) * V
            pltpu.sync_copy(eidx_hbm.at[pl.ds(base, SPLIT)], idx_a[k])
            pltpu.sync_copy(eidx_hbm.at[pl.ds(base + SPLIT, V - SPLIT)],
                            idx_b[k])
        copies = []
        for k in range(C_PER_W):
            copies.append(pltpu.async_copy(wt_hbm.at[idx_a[k]], row_a[k], sem))
            copies.append(pltpu.async_copy(wt_hbm.at[idx_b[k]], row_b[k], sem))
        for c in copies:
            c.wait()
        for k in range(C_PER_W):
            base = (wid * C_PER_W + k) * V
            pltpu.sync_copy(row_a[k], out_hbm.at[pl.ds(base, SPLIT)])
            pltpu.sync_copy(row_b[k], out_hbm.at[pl.ds(base + SPLIT,
                                                       V - SPLIT)])

    return gather_kernel(wt_flat, eidx)


def _add_body(x_ref, e_ref, o_ref):
    o_ref[...] = x_ref[...] + e_ref[...][:, :, None]


def _tc_add(xt, e2):
    return pl.pallas_call(
        _add_body,
        grid=(V // BV,),
        in_specs=[
            pl.BlockSpec((BV, DIM, N), lambda i: (i, 0, 0)),
            pl.BlockSpec((BV, DIM), lambda i: (i, 0)),
        ],
        out_specs=pl.BlockSpec((BV, DIM, N), lambda i: (i, 0, 0)),
        out_shape=jax.ShapeDtypeStruct((V, DIM, N), jnp.float32),
    )(xt, e2)


@jax.jit
def kernel(x, node_types, W):
    rows = W.shape[0]
    idx = node_types.reshape(V)
    eidx = (idx[None, :]
            + rows * jnp.arange(DIM, dtype=jnp.int32)[:, None]).reshape(-1)
    wt_flat = jnp.transpose(W).reshape(DIM * rows)
    e_t = _sc_gather(wt_flat, eidx).reshape(DIM, V)
    embeds = jnp.transpose(e_t)
    xt = jnp.transpose(x, (1, 2, 0))
    out_t = _tc_add(xt, embeds)
    return jnp.transpose(out_t, (2, 0, 1))

# --- scband reference (transcript-rebuilt; emitter-appended) ---
"""Pipeline reference for scband-rgcnembedding-22067541967680 (READ-ONLY COPY).

The authoritative reference and input builder live on the scoring server;
editing this copy changes nothing except your own understanding.
"""

import jax, jax.numpy as jnp
import numpy as np

N, V, DIM, NUM_RELATION = 4096, 200, 64, 100000

def setup_inputs(seed: int = 0) -> dict:
    key = jax.random.key(seed)
    k1, k2, k3 = jax.random.split(key, 3)
    x = jax.random.normal(k1, (N, V, DIM), dtype=jnp.float32)
    node_types = jax.random.randint(k2, (1, V), 0, NUM_RELATION, dtype=jnp.int32)
    W = jax.random.normal(k3, (NUM_RELATION, DIM), dtype=jnp.float32) * 0.02
    return {"x": x, "node_types": node_types, "W": W}

def reference(x, node_types, W):
    n = x.shape[0]
    v = node_types.shape[1]
    temp_node_types = jnp.broadcast_to(node_types, (n, v))
    node_embeds = jnp.take(W, temp_node_types, axis=0)
    return x + node_embeds

if __name__ == "__main__":
    import jax
    _d = setup_inputs()
    print(jax.jit(kernel)(*tuple(_d.values())))

</pallas_src>

<mosaic_0001>
#map = affine_map<(d0, d1) -> (0)>
module attributes {stable_mosaic.version = 14 : i64} {
  func.func @gather_kernel(%arg0: i32, %arg1: i32, %arg2: memref<6400000xf32, #tpu.memory_space<hbm>>, %arg3: memref<12800xi32, #tpu.memory_space<hbm>>, %arg4: memref<12800xf32, #tpu.memory_space<hbm>>, %arg5: memref<96xi32, #tpu.memory_space<vmem>>, %arg6: memref<96xi32, #tpu.memory_space<vmem>>, %arg7: memref<104xi32, #tpu.memory_space<vmem>>, %arg8: memref<104xi32, #tpu.memory_space<vmem>>, %arg9: memref<96xf32, #tpu.memory_space<vmem>>, %arg10: memref<96xf32, #tpu.memory_space<vmem>>, %arg11: memref<104xf32, #tpu.memory_space<vmem>>, %arg12: memref<104xf32, #tpu.memory_space<vmem>>, %arg13: memref<!tpu.dma_semaphore, #tpu.memory_space<semaphore_mem>>) attributes {dimension_semantics = [#tpu.dimension_semantics<core_parallel>, #tpu.dimension_semantics<subcore_parallel>], iteration_bounds = array<i64: 2, 16>, scalar_prefetch = 0 : i64, scratch_operands = 9 : i64, tpu.core_type = #tpu.core_type<sc_vector_subcore>, window_params = [{transform_indices = #map}, {transform_indices = #map}, {transform_indices = #map}]} {
    %mul3A = arith.constant 2 : i32
    %mul3A_0 = arith.muli %arg1, %mul3A : i32
    %add3A = arith.addi %mul3A_0, %arg0 : i32
    %mul3A_1 = arith.constant 2 : i32
    %mul3A_2 = arith.muli %add3A, %mul3A_1 : i32
    %add3A_3 = arith.constant 0 : i32
    %add3A_4 = arith.addi %mul3A_2, %add3A_3 : i32
    %mul3A_5 = arith.constant 200 : i32
    %mul3A_6 = arith.muli %add3A_4, %mul3A_5 : i32
    "tpu.region"() ({
      %run_scoped3A = tpu.sem_alloc : memref<!tpu.dma_semaphore, #tpu.memory_space<semaphore_mem>>
      %dma_start3A_47 = tpu.memref_slice %arg3[%mul3A_6] : memref<12800xi32, #tpu.memory_space<hbm>> -> memref<96xi32, #tpu.memory_space<hbm>>
      %dma_start3A_48 = tpu.memref_slice %arg3[%mul3A_6] : memref<12800xi32, #tpu.memory_space<hbm>> -> memref<96xi32, #tpu.memory_space<hbm>>
      tpu.enqueue_dma source(%dma_start3A_48 : memref<96xi32, #tpu.memory_space<hbm>>) target(%arg5 : memref<96xi32, #tpu.memory_space<vmem>>) target_semaphore(%run_scoped3A : memref<!tpu.dma_semaphore, #tpu.memory_space<semaphore_mem>>)
      %dma_wait3A_49 = tpu.memref_slice %arg3[%mul3A_6] : memref<12800xi32, #tpu.memory_space<hbm>> -> memref<96xi32, #tpu.memory_space<hbm>>
      %dma_wait3A_50 = tpu.memref_slice %arg3[%mul3A_6] : memref<12800xi32, #tpu.memory_space<hbm>> -> memref<96xi32, #tpu.memory_space<hbm>>
      tpu.wait_dma2 semaphore(%run_scoped3A : memref<!tpu.dma_semaphore, #tpu.memory_space<semaphore_mem>>) src(%dma_wait3A_50 : memref<96xi32, #tpu.memory_space<hbm>>) dst(%arg5 : memref<96xi32, #tpu.memory_space<vmem>>)
      tpu.yield
    }) : () -> ()
    %add3A_7 = arith.constant 96 : i32
    %add3A_8 = arith.addi %mul3A_6, %add3A_7 : i32
    "tpu.region"() ({
      %run_scoped3A = tpu.sem_alloc : memref<!tpu.dma_semaphore, #tpu.memory_space<semaphore_mem>>
      %dma_start3A_47 = tpu.memref_slice %arg3[%add3A_8] : memref<12800xi32, #tpu.memory_space<hbm>> -> memref<104xi32, #tpu.memory_space<hbm>>
      %dma_start3A_48 = tpu.memref_slice %arg3[%add3A_8] : memref<12800xi32, #tpu.memory_space<hbm>> -> memref<104xi32, #tpu.memory_space<hbm>>
      tpu.enqueue_dma source(%dma_start3A_48 : memref<104xi32, #tpu.memory_space<hbm>>) target(%arg7 : memref<104xi32, #tpu.memory_space<vmem>>) target_semaphore(%run_scoped3A : memref<!tpu.dma_semaphore, #tpu.memory_space<semaphore_mem>>)
      %dma_wait3A_49 = tpu.memref_slice %arg3[%add3A_8] : memref<12800xi32, #tpu.memory_space<hbm>> -> memref<104xi32, #tpu.memory_space<hbm>>
      %dma_wait3A_50 = tpu.memref_slice %arg3[%add3A_8] : memref<12800xi32, #tpu.memory_space<hbm>> -> memref<104xi32, #tpu.memory_space<hbm>>
      tpu.wait_dma2 semaphore(%run_scoped3A : memref<!tpu.dma_semaphore, #tpu.memory_space<semaphore_mem>>) src(%dma_wait3A_50 : memref<104xi32, #tpu.memory_space<hbm>>) dst(%arg7 : memref<104xi32, #tpu.memory_space<vmem>>)
      tpu.yield
    }) : () -> ()
    %mul3A_9 = arith.constant 2 : i32
    %mul3A_10 = arith.muli %add3A, %mul3A_9 : i32
    %add3A_11 = arith.constant 1 : i32
    %add3A_12 = arith.addi %mul3A_10, %add3A_11 : i32
    %mul3A_13 = arith.constant 200 : i32
    %mul3A_14 = arith.muli %add3A_12, %mul3A_13 : i32
    "tpu.region"() ({
      %run_scoped3A = tpu.sem_alloc : memref<!tpu.dma_semaphore, #tpu.memory_space<semaphore_mem>>
      %dma_start3A_47 = tpu.memref_slice %arg3[%mul3A_14] : memref<12800xi32, #tpu.memory_space<hbm>> -> memref<96xi32, #tpu.memory_space<hbm>>
      %dma_start3A_48 = tpu.memref_slice %arg3[%mul3A_14] : memref<12800xi32, #tpu.memory_space<hbm>> -> memref<96xi32, #tpu.memory_space<hbm>>
      tpu.enqueue_dma source(%dma_start3A_48 : memref<96xi32, #tpu.memory_space<hbm>>) target(%arg6 : memref<96xi32, #tpu.memory_space<vmem>>) target_semaphore(%run_scoped3A : memref<!tpu.dma_semaphore, #tpu.memory_space<semaphore_mem>>)
      %dma_wait3A_49 = tpu.memref_slice %arg3[%mul3A_14] : memref<12800xi32, #tpu.memory_space<hbm>> -> memref<96xi32, #tpu.memory_space<hbm>>
      %dma_wait3A_50 = tpu.memref_slice %arg3[%mul3A_14] : memref<12800xi32, #tpu.memory_space<hbm>> -> memref<96xi32, #tpu.memory_space<hbm>>
      tpu.wait_dma2 semaphore(%run_scoped3A : memref<!tpu.dma_semaphore, #tpu.memory_space<semaphore_mem>>) src(%dma_wait3A_50 : memref<96xi32, #tpu.memory_space<hbm>>) dst(%arg6 : memref<96xi32, #tpu.memory_space<vmem>>)
      tpu.yield
    }) : () -> ()
    %add3A_15 = arith.constant 96 : i32
    %add3A_16 = arith.addi %mul3A_14, %add3A_15 : i32
    "tpu.region"() ({
      %run_scoped3A = tpu.sem_alloc : memref<!tpu.dma_semaphore, #tpu.memory_space<semaphore_mem>>
      %dma_start3A_47 = tpu.memref_slice %arg3[%add3A_16] : memref<12800xi32, #tpu.memory_space<hbm>> -> memref<104xi32, #tpu.memory_space<hbm>>
      %dma_start3A_48 = tpu.memref_slice %arg3[%add3A_16] : memref<12800xi32, #tpu.memory_space<hbm>> -> memref<104xi32, #tpu.memory_space<hbm>>
      tpu.enqueue_dma source(%dma_start3A_48 : memref<104xi32, #tpu.memory_space<hbm>>) target(%arg8 : memref<104xi32, #tpu.memory_space<vmem>>) target_semaphore(%run_scoped3A : memref<!tpu.dma_semaphore, #tpu.memory_space<semaphore_mem>>)
      %dma_wait3A_49 = tpu.memref_slice %arg3[%add3A_16] : memref<12800xi32, #tpu.memory_space<hbm>> -> memref<104xi32, #tpu.memory_space<hbm>>
      %dma_wait3A_50 = tpu.memref_slice %arg3[%add3A_16] : memref<12800xi32, #tpu.memory_space<hbm>> -> memref<104xi32, #tpu.memory_space<hbm>>
      tpu.wait_dma2 semaphore(%run_scoped3A : memref<!tpu.dma_semaphore, #tpu.memory_space<semaphore_mem>>) src(%dma_wait3A_50 : memref<104xi32, #tpu.memory_space<hbm>>) dst(%arg8 : memref<104xi32, #tpu.memory_space<vmem>>)
      tpu.yield
    }) : () -> ()
    %dma_start3A = arith.constant 0 : i32
    %dma_start3A_17 = tpu.memref_slice %arg2[%dma_start3A] : memref<6400000xf32, #tpu.memory_space<hbm>> -> memref<6400000xf32, #tpu.memory_space<hbm>>
    tpu.enqueue_indirect_dma source(%dma_start3A_17 : memref<6400000xf32, #tpu.memory_space<hbm>>) target(%arg9 : memref<96xf32, #tpu.memory_space<vmem>>) offsets(%arg5 : memref<96xi32, #tpu.memory_space<vmem>>) semaphore(%arg13 : memref<!tpu.dma_semaphore, #tpu.memory_space<semaphore_mem>>)
    %dma_start3A_18 = arith.constant 0 : i32
    %dma_start3A_19 = tpu.memref_slice %arg2[%dma_start3A_18] : memref<6400000xf32, #tpu.memory_space<hbm>> -> memref<6400000xf32, #tpu.memory_space<hbm>>
    tpu.enqueue_indirect_dma source(%dma_start3A_19 : memref<6400000xf32, #tpu.memory_space<hbm>>) target(%arg11 : memref<104xf32, #tpu.memory_space<vmem>>) offsets(%arg7 : memref<104xi32, #tpu.memory_space<vmem>>) semaphore(%arg13 : memref<!tpu.dma_semaphore, #tpu.memory_space<semaphore_mem>>)
    %dma_start3A_20 = arith.constant 0 : i32
    %dma_start3A_21 = tpu.memref_slice %arg2[%dma_start3A_20] : memref<6400000xf32, #tpu.memory_space<hbm>> -> memref<6400000xf32, #tpu.memory_space<hbm>>
    tpu.enqueue_indirect_dma source(%dma_start3A_21 : memref<6400000xf32, #tpu.memory_space<hbm>>) target(%arg10 : memref<96xf32, #tpu.memory_space<vmem>>) offsets(%arg6 : memref<96xi32, #tpu.memory_space<vmem>>) semaphore(%arg13 : memref<!tpu.dma_semaphore, #tpu.memory_space<semaphore_mem>>)
    %dma_start3A_22 = arith.constant 0 : i32
    %dma_start3A_23 = tpu.memref_slice %arg2[%dma_start3A_22] : memref<6400000xf32, #tpu.memory_space<hbm>> -> memref<6400000xf32, #tpu.memory_space<hbm>>
    tpu.enqueue_indirect_dma source(%dma_start3A_23 : memref<6400000xf32, #tpu.memory_space<hbm>>) target(%arg12 : memref<104xf32, #tpu.memory_space<vmem>>) offsets(%arg8 : memref<104xi32, #tpu.memory_space<vmem>>) semaphore(%arg13 : memref<!tpu.dma_semaphore, #tpu.memory_space<semaphore_mem>>)
    %dma_wait3A = arith.constant 0 : i32
    %dma_wait3A_24 = tpu.memref_slice %arg2[%dma_wait3A] : memref<6400000xf32, #tpu.memory_space<hbm>> -> memref<6400000xf32, #tpu.memory_space<hbm>>
    tpu.wait_indirect_dma semaphore(%arg13 : memref<!tpu.dma_semaphore, #tpu.memory_space<semaphore_mem>>) src(%dma_wait3A_24 : memref<6400000xf32, #tpu.memory_space<hbm>>) dst(%arg9 : memref<96xf32, #tpu.memory_space<vmem>>)
    %dma_wait3A_25 = arith.constant 0 : i32
    %dma_wait3A_26 = tpu.memref_slice %arg2[%dma_wait3A_25] : memref<6400000xf32, #tpu.memory_space<hbm>> -> memref<6400000xf32, #tpu.memory_space<hbm>>
    tpu.wait_indirect_dma semaphore(%arg13 : memref<!tpu.dma_semaphore, #tpu.memory_space<semaphore_mem>>) src(%dma_wait3A_26 : memref<6400000xf32, #tpu.memory_space<hbm>>) dst(%arg11 : memref<104xf32, #tpu.memory_space<vmem>>)
    %dma_wait3A_27 = arith.constant 0 : i32
    %dma_wait3A_28 = tpu.memref_slice %arg2[%dma_wait3A_27] : memref<6400000xf32, #tpu.memory_space<hbm>> -> memref<6400000xf32, #tpu.memory_space<hbm>>
    tpu.wait_indirect_dma semaphore(%arg13 : memref<!tpu.dma_semaphore, #tpu.memory_space<semaphore_mem>>) src(%dma_wait3A_28 : memref<6400000xf32, #tpu.memory_space<hbm>>) dst(%arg10 : memref<96xf32, #tpu.memory_space<vmem>>)
    %dma_wait3A_29 = arith.constant 0 : i32
    %dma_wait3A_30 = tpu.memref_slice %arg2[%dma_wait3A_29] : memref<6400000xf32, #tpu.memory_space<hbm>> -> memref<6400000xf32, #tpu.memory_space<hbm>>
    tpu.wait_indirect_dma semaphore(%arg13 : memref<!tpu.dma_semaphore, #tpu.memory_space<semaphore_mem>>) src(%dma_wait3A_30 : memref<6400000xf32, #tpu.memory_space<hbm>>) dst(%arg12 : memref<104xf32, #tpu.memory_space<vmem>>)
    %mul3A_31 = arith.constant 2 : i32
    %mul3A_32 = arith.muli %add3A, %mul3A_31 : i32
    %add3A_33 = arith.constant 0 : i32
    %add3A_34 = arith.addi %mul3A_32, %add3A_33 : i32
    %mul3A_35 = arith.constant 200 : i32
    %mul3A_36 = arith.muli %add3A_34, %mul3A_35 : i32
    "tpu.region"() ({
      %run_scoped3A = tpu.sem_alloc : memref<!tpu.dma_semaphore, #tpu.memory_space<semaphore_mem>>
      %dma_start3A_47 = tpu.memref_slice %arg4[%mul3A_36] : memref<12800xf32, #tpu.memory_space<hbm>> -> memref<96xf32, #tpu.memory_space<hbm>>
      %dma_start3A_48 = tpu.memref_slice %arg4[%mul3A_36] : memref<12800xf32, #tpu.memory_space<hbm>> -> memref<96xf32, #tpu.memory_space<hbm>>
      tpu.enqueue_dma source(%arg9 : memref<96xf32, #tpu.memory_space<vmem>>) target(%dma_start3A_48 : memref<96xf32, #tpu.memory_space<hbm>>) target_semaphore(%run_scoped3A : memref<!tpu.dma_semaphore, #tpu.memory_space<semaphore_mem>>)
      %dma_wait3A_49 = tpu.memref_slice %arg4[%mul3A_36] : memref<12800xf32, #tpu.memory_space<hbm>> -> memref<96xf32, #tpu.memory_space<hbm>>
      %dma_wait3A_50 = tpu.memref_slice %arg4[%mul3A_36] : memref<12800xf32, #tpu.memory_space<hbm>> -> memref<96xf32, #tpu.memory_space<hbm>>
      tpu.wait_dma2 semaphore(%run_scoped3A : memref<!tpu.dma_semaphore, #tpu.memory_space<semaphore_mem>>) src(%arg9 : memref<96xf32, #tpu.memory_space<vmem>>) dst(%dma_wait3A_50 : memref<96xf32, #tpu.memory_space<hbm>>)
      tpu.yield
    }) : () -> ()
    %add3A_37 = arith.constant 96 : i32
    %add3A_38 = arith.addi %mul3A_36, %add3A_37 : i32
    "tpu.region"() ({
      %run_scoped3A = tpu.sem_alloc : memref<!tpu.dma_semaphore, #tpu.memory_space<semaphore_mem>>
      %dma_start3A_47 = tpu.memref_slice %arg4[%add3A_38] : memref<12800xf32, #tpu.memory_space<hbm>> -> memref<104xf32, #tpu.memory_space<hbm>>
      %dma_start3A_48 = tpu.memref_slice %arg4[%add3A_38] : memref<12800xf32, #tpu.memory_space<hbm>> -> memref<104xf32, #tpu.memory_space<hbm>>
      tpu.enqueue_dma source(%arg11 : memref<104xf32, #tpu.memory_space<vmem>>) target(%dma_start3A_48 : memref<104xf32, #tpu.memory_space<hbm>>) target_semaphore(%run_scoped3A : memref<!tpu.dma_semaphore, #tpu.memory_space<semaphore_mem>>)
      %dma_wait3A_49 = tpu.memref_slice %arg4[%add3A_38] : memref<12800xf32, #tpu.memory_space<hbm>> -> memref<104xf32, #tpu.memory_space<hbm>>
      %dma_wait3A_50 = tpu.memref_slice %arg4[%add3A_38] : memref<12800xf32, #tpu.memory_space<hbm>> -> memref<104xf32, #tpu.memory_space<hbm>>
      tpu.wait_dma2 semaphore(%run_scoped3A : memref<!tpu.dma_semaphore, #tpu.memory_space<semaphore_mem>>) src(%arg11 : memref<104xf32, #tpu.memory_space<vmem>>) dst(%dma_wait3A_50 : memref<104xf32, #tpu.memory_space<hbm>>)
      tpu.yield
    }) : () -> ()
    %mul3A_39 = arith.constant 2 : i32
    %mul3A_40 = arith.muli %add3A, %mul3A_39 : i32
    %add3A_41 = arith.constant 1 : i32
    %add3A_42 = arith.addi %mul3A_40, %add3A_41 : i32
    %mul3A_43 = arith.constant 200 : i32
    %mul3A_44 = arith.muli %add3A_42, %mul3A_43 : i32
    "tpu.region"() ({
      %run_scoped3A = tpu.sem_alloc : memref<!tpu.dma_semaphore, #tpu.memory_space<semaphore_mem>>
      %dma_start3A_47 = tpu.memref_slice %arg4[%mul3A_44] : memref<12800xf32, #tpu.memory_space<hbm>> -> memref<96xf32, #tpu.memory_space<hbm>>
      %dma_start3A_48 = tpu.memref_slice %arg4[%mul3A_44] : memref<12800xf32, #tpu.memory_space<hbm>> -> memref<96xf32, #tpu.memory_space<hbm>>
      tpu.enqueue_dma source(%arg10 : memref<96xf32, #tpu.memory_space<vmem>>) target(%dma_start3A_48 : memref<96xf32, #tpu.memory_space<hbm>>) target_semaphore(%run_scoped3A : memref<!tpu.dma_semaphore, #tpu.memory_space<semaphore_mem>>)
      %dma_wait3A_49 = tpu.memref_slice %arg4[%mul3A_44] : memref<12800xf32, #tpu.memory_space<hbm>> -> memref<96xf32, #tpu.memory_space<hbm>>
      %dma_wait3A_50 = tpu.memref_slice %arg4[%mul3A_44] : memref<12800xf32, #tpu.memory_space<hbm>> -> memref<96xf32, #tpu.memory_space<hbm>>
      tpu.wait_dma2 semaphore(%run_scoped3A : memref<!tpu.dma_semaphore, #tpu.memory_space<semaphore_mem>>) src(%arg10 : memref<96xf32, #tpu.memory_space<vmem>>) dst(%dma_wait3A_50 : memref<96xf32, #tpu.memory_space<hbm>>)
      tpu.yield
    }) : () -> ()
    %add3A_45 = arith.constant 96 : i32
    %add3A_46 = arith.addi %mul3A_44, %add3A_45 : i32
    "tpu.region"() ({
      %run_scoped3A = tpu.sem_alloc : memref<!tpu.dma_semaphore, #tpu.memory_space<semaphore_mem>>
      %dma_start3A_47 = tpu.memref_slice %arg4[%add3A_46] : memref<12800xf32, #tpu.memory_space<hbm>> -> memref<104xf32, #tpu.memory_space<hbm>>
      %dma_start3A_48 = tpu.memref_slice %arg4[%add3A_46] : memref<12800xf32, #tpu.memory_space<hbm>> -> memref<104xf32, #tpu.memory_space<hbm>>
      tpu.enqueue_dma source(%arg12 : memref<104xf32, #tpu.memory_space<vmem>>) target(%dma_start3A_48 : memref<104xf32, #tpu.memory_space<hbm>>) target_semaphore(%run_scoped3A : memref<!tpu.dma_semaphore, #tpu.memory_space<semaphore_mem>>)
      %dma_wait3A_49 = tpu.memref_slice %arg4[%add3A_46] : memref<12800xf32, #tpu.memory_space<hbm>> -> memref<104xf32, #tpu.memory_space<hbm>>
      %dma_wait3A_50 = tpu.memref_slice %arg4[%add3A_46] : memref<12800xf32, #tpu.memory_space<hbm>> -> memref<104xf32, #tpu.memory_space<hbm>>
      tpu.wait_dma2 semaphore(%run_scoped3A : memref<!tpu.dma_semaphore, #tpu.memory_space<semaphore_mem>>) src(%arg12 : memref<104xf32, #tpu.memory_space<vmem>>) dst(%dma_wait3A_50 : memref<104xf32, #tpu.memory_space<hbm>>)
      tpu.yield
    }) : () -> ()
    return
  }
}

module attributes {stable_mosaic.version = 14 : i64} {
  func.func @_add_body(%arg0: i32, %arg1: memref<8x64x4096xf32, #tpu.memory_space<vmem>>, %arg2: memref<8x64xf32, #tpu.memory_space<vmem>>, %arg3: memref<8x64x4096xf32, #tpu.memory_space<vmem>>) attributes {dimension_semantics = [#tpu.dimension_semantics<arbitrary>], iteration_bounds = array<i64: 25>, scalar_prefetch = 0 : i64, scratch_operands = 0 : i64, tpu.core_type = #tpu.core_type<tc>, window_params = [{transform_indices = @transform_0, window_bounds = array<i64: 8, 64, 4096>}, {transform_indices = @transform_1, window_bounds = array<i64: 8, 64>}, {transform_indices = @transform_2, window_bounds = array<i64: 8, 64, 4096>}]} {
    %get3A = arith.constant 0 : index
    %get3A_0 = arith.constant 0 : index
    %get3A_1 = arith.constant 0 : index
    %get3A_2 = vector.load %arg1[%get3A, %get3A_0, %get3A_1] : memref<8x64x4096xf32, #tpu.memory_space<vmem>>, vector<8x64x4096xf32>
    %get3A_3 = arith.constant 0 : index
    %get3A_4 = arith.constant 0 : index
    %get3A_5 = vector.load %arg2[%get3A_3, %get3A_4] : memref<8x64xf32, #tpu.memory_space<vmem>>, vector<8x64xf32>
    %broadcast_in_dim3A = vector.shape_cast %get3A_5 : vector<8x64xf32> to vector<8x64x1xf32>
    %add3A = vector.broadcast %broadcast_in_dim3A : vector<8x64x1xf32> to vector<8x64x4096xf32>
    %add3A_6 = arith.addf %get3A_2, %add3A : vector<8x64x4096xf32>
    %swap3A = arith.constant 0 : index
    %swap3A_7 = arith.constant 0 : index
    %swap3A_8 = arith.constant 0 : index
    %swap3A_9 = vector.load %arg3[%swap3A, %swap3A_7, %swap3A_8] : memref<8x64x4096xf32, #tpu.memory_space<vmem>>, vector<8x64x4096xf32>
    tpu.vector_store %arg3[%swap3A, %swap3A_7, %swap3A_8], %add3A_6 {strides = array<i32>} : memref<8x64x4096xf32, #tpu.memory_space<vmem>>, vector<8x64x4096xf32>,
    return
  }
  func.func @transform_0(%arg0: i32) -> (i32, i32, i32) {
    %c0_i32 = arith.constant 0 : i32
    %c0_i32_0 = arith.constant 0 : i32
    %c0_i32_1 = arith.constant 0 : i32
    return %arg0, %c0_i32, %c0_i32_0 : i32, i32, i32
  }
  func.func @transform_1(%arg0: i32) -> (i32, i32) {
    %c0_i32 = arith.constant 0 : i32
    %c0_i32_0 = arith.constant 0 : i32
    return %arg0, %c0_i32 : i32, i32
  }
  func.func @transform_2(%arg0: i32) -> (i32, i32, i32) {
    %c0_i32 = arith.constant 0 : i32
    %c0_i32_0 = arith.constant 0 : i32
    %c0_i32_1 = arith.constant 0 : i32
    return %arg0, %c0_i32, %c0_i32_0 : i32, i32, i32
  }
}

</mosaic_0001>

<sc_bundles>
// kernel: kernel.4.cloned.1.call-start
scs
__scs_entry_jumppad:
0x0: {  	(pc) =	sbr.rel $0x88, $3  }
0x1: {  	(tag) =	ssettag $0x0;
	lr =	simm.s32 $0x1  }
0x2: {  	[smem:$0x3F9E] =	sst lr;
	_ =	strace $0xD0000000  }
0x3: {  	_ = 	snop  }
0x4: {  	_ = 	snop  }
0x5: {  	_ = 	snop  }
0x6: {  	_ = 	snop  }
0x7: {  	_ = 	snop  }
__scs_overlays_trampoline_lowered:
0x8: {  	[smem:$0x3FAD] =	sst s0  }
0x9: {  	[smem:$0x3FAE] =	sst s1  }
0xa: {  	[smem:$0x3FAF] =	sst s2  }
0xb: {  	[smem:$0x3FB0] =	sst s3  }
0xc: {  	[smem:$0x3FB1] =	sst s4  }
0xd: {  	[smem:$0x3FB2] =	sst s5  }
0xe: {  	[smem:$0x3FB3] =	sst s6  }
0xf: {  	[smem:$0x3FB4] =	sst s7  }
0x10: {  	[smem:$0x3FB5] =	sst s8  }
0x11: {  	[smem:$0x3FB6] =	sst s9;
	s0 =	simm.s32 @!p0 $0x0  }
0x12: {  	s1 =	sld [smem:$0x3F9C];
	s0 =	simm.s32 @p0 $0x1  }
0x13: {  	[smem:$0x3FB7] =	sst s0;
	s0 =	simm.s32 @!p1 $0x0  }
0x14: {  	s2 =	sld [smem:$0x3F9B];
	s0 =	simm.s32 @p1 $0x1  }
0x15: {  	[smem:$0x3FB8] =	sst s0;
	s0 =	simm.s32 @!p2 $0x0  }
0x16: {  	s3 =	sld [smem:$0x3FDB];
	s0 =	simm.s32 @p2 $0x1  }
0x17: {  	s4 =	simm.s32 $0x1BF5;
	[smem:$0x3FBA] =	sst s0  }
0x18: {  	s0 =	sld [smem:$0x3F9D];
	_ =	swait.ge [sflag:s4], $0x0  }
0x19: {  	s7 =	sld [smem:$0x3F9E]  }
0x1a: {  	s8 =	sadd.s32 $0xFFFFE003, lr  }
0x1b: {  	s9 =	sadd.s32 $0xFFFFFEF7, lr;
	s5 =	simm.s32 $0xFFFFFFFF;
	p2 =	slt.u32 s8, $0xFFFFF086  }
0x1c: {  	p1 =	slt.u32 s9, $0xF7A;
	s5 =	simm.s32 @!p2 $0x0  }
0x1d: {  	s5 =	simm.s32 @p1 $0x1;
	p0 =	seq.s32 s7, s2  }
0x1e: {  	s7 =	smul.u32 @!p0 $0xF7A, s2;
	p2 =	seq.s32 @!p0 s5, $0x0  }
0x1f: {  	s9 =	smul.u32 $0xF7A, s1;
	s8 =	simm.s32 @!p0 $0x1BF5;
	p2 =	por !p2, p0  }
0x20: {  	[sflag:s8] =	ssyncset.s32 @!p0 $0xFFFFF086;
	s6 =	sadd.s32 @!p0 s3, s7;
	s7 =	simm.s32 @!p0 $0x108  }
0x21: {  	s3 =	sadd.s32 s3, s9;
	s6 =	sadd.s32 @!p0 $0x88, s6;
	s7 =	simm.s32 @p2 $0x1082  }
0x22: {  	[simem:s7], [sflag:s8] =	dma.local @!p0 [hbm:s6], $0xF7A  }
0x23: {  	s9 =	sor.u32 $0xD0000000, s2;
	s6 =	simm.s32 $0x108;
	_ =	swait.ge @!p0 [sflag:s8], $0x0  }
0x24: {  	s3 =	sadd.s32 $0x88, s3;
	s6 =	simm.s32 @!p1 $0x1082;
	[sflag:s4] =	ssyncset.s32 $0xFFFFF086  }
0x25: {  	[simem:s6], [sflag:s4] =	dma.local [hbm:s3], $0xF7A  }
0x26: {  	[smem:$0x3F9E] =	sst s1;
	(tag) =	ssettag s2;
	_ =	strace s9  }
0x27: {  	s1 =	sld [smem:$0x3FAE]  }
0x28: {  	s2 =	sld [smem:$0x3FAF]  }
0x29: {  	s4 =	sld [smem:$0x3FB1]  }
0x2a: {  	p0 =	seq.s32 s5, $0x0;
	s5 =	sld [smem:$0x3FB2]  }
0x2b: {  	s6 =	sld [smem:$0x3FB3]  }
0x2c: {  	s7 =	sld [smem:$0x3FB4]  }
0x2d: {  	s3 =	simm.s32 $0x108;
	s8 =	sld [smem:$0x3FB5]  }
0x2e: {  	s3 =	simm.s32 @!p0 $0x1082;
	s9 =	sld [smem:$0x3FB6]  }
0x2f: {  	lr =	sadd.s32 s0, s3;
	s0 =	sld [smem:$0x3FAD]  }
0x30: {  	s3 =	sld [smem:$0x3FB0]  }
0x31: {  	[smem:$0x3FB9] =	sst s10  }
0x32: {  	s10 =	sld [smem:$0x3FB7];
	_ =	sdelay $0x3  }
0x33: {  	p0 =	seq.s32 s10, $0x1;
	s10 =	sld [smem:$0x3FB9];
	_ =	sdelay $0x3  }
0x34: {  	[smem:$0x3FB9] =	sst s10  }
0x35: {  	s10 =	sld [smem:$0x3FB8];
	_ =	sdelay $0x3  }
0x36: {  	p1 =	seq.s32 s10, $0x1;
	s10 =	sld [smem:$0x3FB9];
	_ =	sdelay $0x3  }
0x37: {  	[smem:$0x3FB9] =	sst s10  }
0x38: {  	s10 =	sld [smem:$0x3FBA]  }
0x39: {  	_ = 	snop;
	(pc) =	sbr.ind lr, $3  }
0x3a: {  	_ = 	snop  }
0x3b: {  	_ = 	snop  }
0x3c: {  	p2 =	seq.s32 s10, $0x1;
	s10 =	sld [smem:$0x3FB9]  }
0x3d: {  	_ =	shalt  }
0x3e: {  	_ =	shalt  }
0x3f: {  	_ =	shalt  }
0x40: {  	_ =	shalt  }
0x41: {  	_ =	shalt  }
0x42: {  	_ =	shalt  }
0x43: {  	_ =	shalt  }
0x44: {  	_ =	shalt  }
0x45: {  	_ =	shalt  }
0x46: {  	_ =	shalt  }
0x47: {  	_ =	shalt  }
0x48: {  	_ =	shalt  }
0x49: {  	_ =	shalt  }
0x4a: {  	_ =	shalt  }
0x4b: {  	_ =	shalt  }
0x4c: {  	_ =	shalt  }
0x4d: {  	_ =	shalt  }
0x4e: {  	_ =	shalt  }
0x4f: {  	_ =	shalt  }
0x50: {  	_ =	shalt  }
0x51: {  	_ =	shalt  }
0x52: {  	_ =	shalt  }
0x53: {  	_ =	shalt  }
0x54: {  	_ =	shalt  }
0x55: {  	_ =	shalt  }
0x56: {  	_ =	shalt  }
0x57: {  	_ =	shalt  }
0x58: {  	_ =	shalt  }
0x59: {  	_ =	shalt  }
0x5a: {  	_ =	shalt  }
0x5b: {  	_ =	shalt  }
0x5c: {  	_ =	shalt  }
0x5d: {  	_ =	shalt  }
0x5e: {  	_ =	shalt  }
0x5f: {  	_ =	shalt  }
0x60: {  	_ =	shalt  }
0x61: {  	_ =	shalt  }
0x62: {  	_ =	shalt  }
0x63: {  	_ =	shalt  }
0x64: {  	_ =	shalt  }
0x65: {  	_ =	shalt  }
0x66: {  	_ =	shalt  }
0x67: {  	_ =	shalt  }
0x68: {  	_ =	shalt  }
0x69: {  	_ =	shalt  }
0x6a: {  	_ =	shalt  }
0x6b: {  	_ =	shalt  }
0x6c: {  	_ =	shalt  }
0x6d: {  	_ =	shalt  }
0x6e: {  	_ =	shalt  }
0x6f: {  	_ =	shalt  }
0x70: {  	_ =	shalt  }
0x71: {  	_ =	shalt  }
0x72: {  	_ =	shalt  }
0x73: {  	_ =	shalt  }
0x74: {  	_ =	shalt  }
0x75: {  	_ =	shalt  }
0x76: {  	_ =	shalt  }
0x77: {  	_ =	shalt  }
0x78: {  	_ =	shalt  }
0x79: {  	_ =	shalt  }
0x7a: {  	_ =	shalt  }
0x7b: {  	_ =	shalt  }
0x7c: {  	_ =	shalt  }
0x7d: {  	_ =	shalt  }
0x7e: {  	_ =	shalt  }
0x7f: {  	_ =	shalt  }
0x80: {  	_ =	shalt  }
0x81: {  	_ =	shalt  }
0x82: {  	_ =	shalt  }
0x83: {  	_ =	shalt  }
0x84: {  	_ =	shalt  }
0x85: {  	_ =	shalt  }
0x86: {  	_ =	shalt  }
0x87: {  	_ =	shalt  }
.Lfunc_end0:
.L_simem_size_0:
called_computation_lowered:
.L_overlay_start_0:
0x88: {  	s2 =	sld [smem:$0x3FD9]  }
0x89: {  	s3 =	sld [smem:$0x3FFE];
	_ =	sdelay $0x1  }
0x8a: {  	s1 =	srdreg.scid  }
0x8b: {  	s0 =	sand.u32 $0x1, s1  }
0x8c: {  	s17 =	sshll.u32 s0, $0xA;
	s2 =	sadd.s32 s3, s2  }
0x8d: {  	s2 =	sadd.s32 s2, s17  }
0x8e: {  	[smem:$0x3FC5] =	sst s2  }
0x8f: {  	_ = 	snop  }
0x90: {  	s2 =	sld [smem:$0x3FD0];
	(tm) =	ssettm $0x1  }
0x91: {  	s18 =	sld [smem:$0x3FFB];
	_ =	sdelay $0x3  }
0x92: {  	_ =	strace s18  }
0x93: {  	s3 =	sld [smem:$0x3FFC];
	_ =	sdelay $0x3  }
0x94: {  	_ =	strace s3  }
0x95: {  	s3 =	sld [smem:$0x3FFD];
	_ =	sdelay $0x3  }
0x96: {  	_ =	strace s3  }
0x97: {  	_ =	strace $0x8FFFFFFF  }
0x98: {  	s19 =	sld [smem:$0x3FDB];
	_ =	sdelay $0x1  }
0x99: {  	s4 =	simm.s32 $_scs_section_size  }
0x9a: {  	s5 =	simm.s32 $_size__tile_overlayer_lowered;
	s6 =	simm.s32 $_tile_overlayer_lowered  }
0x9b: {  	s22 =	simm.s32 $0x1BFF;
	s21 =	sshll.u32 s6, $0x1;
	s3 =	sadd.s32 s4, s19  }
0x9c: {  	s7 =	simm.s32 $0x0;
	s20 =	sshll.u32 s5, $0x1;
	s5 =	sadd.s32 s21, s3  }
0x9d: {  	[timem:s7], [sflag:s22] =	dma.local [hbm:s5], s20  }
0x9e: {  	_ =	swait.ge [sflag:s22], s20  }
0x9f: {  	s4 =	ssub.s32 $0x0, s20;
	[sflag:s22] =	ssyncset.done $0x0  }
0xa0: {  	[sflag:s22] =	ssyncadd.s32 s4;
	_ =	sdelay $0x1  }
0xa1: {  	s23 =	simm.s32 $0x1B8B  }
0xa2: {  	_ =	swait.ge [sflag:s23], $0x1  }
0xa3: {  	[sflag:s23] =	ssyncset.done $0x0  }
0xa4: {  	s25 =	simm.s32 $0x1B8E;
	s24 =	sld [smem:$0x3FFE];
	[sflag:s23] =	ssyncadd.s32 $0xFFFFFFFF  }
0xa5: {  	s26 =	simm.s32 $execute0_lowered;
	[smem:$0x3FD2] =	sst s25  }
0xa6: {  	s5 =	sshll.u32 s26, $0x1;
	_ =	strace $0x80000046;
	[dreg:$0x1] =	wrdreg $0xFFFFFFFF  }
0xa7: {  	s28 =	simm.s32 $_size_execute0_lowered;
	s3 =	sadd.s32 s3, s5;
	[dreg:$0x0] =	wrdreg $0x0  }
0xa8: {  	s5 =	sshll.u32 s28, $0x1;
	[dreg:$0x2] =	wrdreg s3  }
0xa9: {  	[dreg:$0x3] =	wrdreg s5  }
0xaa: {  	[dreg:$0x4] =	wrdreg $0xC0  }
0xab: {  	_ =	task [dreg:s7], $0x5FFFF  }
0xac: {  	[dreg:$0x1] =	wrdreg $0xFFFFFFFF  }
0xad: {  	[dreg:$0x0] =	wrdreg $0x60  }
0xae: {  	[dreg:$0x2] =	wrdreg s2  }
0xaf: {  	[dreg:$0x3] =	wrdreg s24  }
0xb0: {  	[dreg:$0x4] =	wrdreg $0x9  }
0xb1: {  	_ =	task.clear_ibuf [dreg:s7], $0x5FFFF;
	_ =	strace $0x90000046  }
0xb2: {  	s29 =	simm.s32 $0x9;
	_ =	strace $0x80000048  }
0xb3: {  	_ =	swait.ge [sflag:s29], $0x1  }
0xb4: {  	[sflag:s29] =	ssyncadd.s32 $0xFFFFFFFF  }
0xb5: {  	_ =	strace $0x90000048  }
0xb6: {  	_ =	sfence  }
0xb7: {  	s30 =	sld [smem:$0x0];
	_ =	sdelay $0x2  }
0xb8: {  	s31 =	sshll.u32 s1, $0xD;
	s1 =	sshrl.u32 s1, $0x2  }
0xb9: {  	s3 =	sand.u32 $0x4000, s31;
	s1 =	sadd.s32 s1, s30  }
0xba: {  	s0 =	sor.u32 s3, s0;
	s1 =	sshll.u32 s1, $0x11  }
0xbb: {  	s0 =	sor.u32 s1, s0  }
0xbc: {  	s0 =	sadd.s32 $0x8F2B, s0  }
0xbd: {  	[sflag:s0] =	ssyncadd.remote.s32 $0x1  }
0xbe: {  	_ =	sfence.sel $0xFFFF  }
0xbf: {  	[dreg:$0x0] =	wrdreg $0xFFFFFFFF;
	(pc) =	sbr.abs _section_cstart, $3  }
0xc0: {  	[dreg:$0x1] =	wrdreg $0xFFFFFFFF  }
0xc1: {  	_ =	task.clear_ibuf [dreg:s7], $0x2FFFF;
	_ =	strace $0x9FFFFFFF  }
0xc2: {  	(tm) =	ssettm $0x7FFFFFFF  }
0xc3: {  	_ =	shalt  }
tec
execute0_lowered:
.L_overlay_start_1:
0x0: {  	(tag) =	ssettag $0x1  }
0x1: {  	s1 =	srdreg.scid;
	s0 =	stileid.u32  }
0x2: {  	s21 =	sand.u32 $0x1, s1;
	s29 =	sshll.u32 s0, $0x1  }
0x3: {  	s1 =	sor.u32 s21, s29  }
0x4: {  	s2 =	rddreg [dreg:$0x0];
	s10 =	smul.u32 $0x190, s1  }
0x5: {  	s19 =	rddreg [dreg:$0x1];
	s3 =	simm.s32 $0x0;
	s4 =	simm.s32 $0x2  }
0x6: {  	[smem:$0x7FF] =	sst s3;
	s11 =	sadd.s32 $0x400, s19;
	s20 =	sshrl.u32 s10, $0x3  }
0x7: {  	s1 =	rddreg [dreg:$0x2];
	_ =	strace $0x80000047;
	s5 =	sadd.s32 s11, s20  }
0x8: {  	[tilespmem:s3], [sflag:$0x2] =	stream.linear.gather [hbm4b:s5+s3], $0x60, $0x38;
	[tilespmem:$0x400] =	vst v63  }
0x9: {  	_ =	swait.ge [sflag:s4], $0x60  }
0xa: {  	s22 =	sadd.s32 $0xC, s20;
	[sflag:s4] =	ssyncset.done $0x0  }
0xb: {  	s7 =	simm.s32 $0x100;
	s6 =	sadd.s32 s11, s22;
	[sflag:s4] =	ssyncadd.s32 $0xFFFFFFA0  }
0xc: {  	[tilespmem:s7], [sflag:$0x2] =	stream.linear.gather [hbm4b:s6+s3], $0x68, $0x38;
	[tilespmem:$0x400] =	vst v63  }
0xd: {  	s8 =	sadd.s32 $0xC8, s10;
	_ =	swait.ge [sflag:s4], $0x68  }
0xe: {  	s23 =	sshrl.u32 s8, $0x3;
	[sflag:s4] =	ssyncset.done $0x0  }
0xf: {  	s9 =	simm.s32 $0x80;
	s8 =	sadd.s32 s11, s23;
	[sflag:s4] =	ssyncadd.s32 $0xFFFFFF98  }
0x10: {  	[tilespmem:s9], [sflag:$0x2] =	stream.linear.gather [hbm4b:s8+s3], $0x60, $0x38;
	[tilespmem:$0x400] =	vst v63  }
0x11: {  	s10 =	sadd.s32 $0x128, s10;
	_ =	swait.ge [sflag:s4], $0x60  }
0x12: {  	s24 =	sshrl.u32 s10, $0x3;
	[sflag:s4] =	ssyncset.done $0x0  }
0x13: {  	s10 =	sadd.s32 s11, s24;
	s11 =	simm.s32 $0x180;
	[sflag:s4] =	ssyncadd.s32 $0xFFFFFFA0  }
0x14: {  	[tilespmem:s11], [sflag:$0x2] =	stream.linear.gather [hbm4b:s10+s3], $0x68, $0x38;
	[tilespmem:$0x400] =	vst v63  }
0x15: {  	_ =	swait.ge [sflag:s4], $0x68  }
0x16: {  	[sflag:s4] =	ssyncset.done $0x0  }
0x17: {  	s12 =	simm.s32 $0x60;
	s13 =	simm.s32 $0x200;
	[sflag:s4] =	ssyncadd.s32 $0xFFFFFF98  }
0x18: {  	[tilespmem:s13], [sflag:$0x1] =	stream.indirect.gather [hbm4b:s2+s12], $0x1, s3, s12, $0xb8;
	[tilespmem:$0x400] =	vst v63  }
0x19: {  	s14 =	simm.s32 $0x68;
	s15 =	simm.s32 $0x300  }
0x1a: {  	[tilespmem:s15], [sflag:$0x1] =	stream.indirect.gather [hbm4b:s2+s14], $0x1, s7, s14, $0xb8;
	[tilespmem:$0x400] =	vst v63  }
0x1b: {  	s16 =	simm.s32 $0x280  }
0x1c: {  	[tilespmem:s16], [sflag:$0x1] =	stream.indirect.gather [hbm4b:s2+s12], $0x1, s9, s12, $0xb8;
	[tilespmem:$0x400] =	vst v63  }
0x1d: {  	s17 =	simm.s32 $0x380;
	s18 =	simm.s32 $0x1  }
0x1e: {  	[tilespmem:s17], [sflag:$0x1] =	stream.indirect.gather [hbm4b:s2+s14], $0x1, s11, s14, $0xb8;
	[tilespmem:$0x400] =	vst v63  }
0x1f: {  	_ =	swait.ge [sflag:s18], $0x60  }
0x20: {  	[sflag:s18] =	ssyncset.done $0x0  }
0x21: {  	[sflag:s18] =	ssyncadd.s32 $0xFFFFFFA0  }
0x22: {  	_ =	swait.ge [sflag:s18], $0x68  }
0x23: {  	[sflag:s18] =	ssyncset.done $0x0  }
0x24: {  	[sflag:s18] =	ssyncadd.s32 $0xFFFFFF98  }
0x25: {  	_ =	swait.ge [sflag:s18], $0x60  }
0x26: {  	[sflag:s18] =	ssyncset.done $0x0  }
0x27: {  	[sflag:s18] =	ssyncadd.s32 $0xFFFFFFA0  }
0x28: {  	_ =	swait.ge [sflag:s18], $0x68  }
0x29: {  	s25 =	sadd.s32 $0xC00, s19;
	[sflag:s18] =	ssyncset.done $0x0  }
0x2a: {  	s19 =	sadd.s32 s25, s20;
	[sflag:s18] =	ssyncadd.s32 $0xFFFFFF98  }
0x2b: {  	[hbm4b:s19+s3] =	stream.linear.scatter [tilespmem:s13], [sflag:$0x2], $0x60, $0x38;
	[tilespmem:$0x400] =	vst v63  }
0x2c: {  	_ =	swait.ge [sflag:s4], $0x60  }
0x2d: {  	[sflag:s4] =	ssyncset.done $0x0  }
0x2e: {  	s30 =	ssub.s32 $0x2, s21;
	s20 =	sadd.s32 s25, s22;
	[sflag:s4] =	ssyncadd.s32 $0xFFFFFFA0  }
0x2f: {  	[hbm4b:s20+s3] =	stream.linear.scatter [tilespmem:s15], [sflag:$0x2], $0x68, $0x38;
	[tilespmem:$0x400] =	vst v63  }
0x30: {  	s31 =	sshrl.u32 s30, $0x1;
	_ =	swait.ge [sflag:s4], $0x68  }
0x31: {  	s21 =	sadd.s32 s25, s23;
	s23 =	ssub.s32 s30, s31;
	[sflag:s4] =	ssyncset.done $0x0  }
0x32: {  	s23 =	smax.u32 s23, $0x1;
	[sflag:s4] =	ssyncadd.s32 $0xFFFFFF98  }
0x33: {  	[hbm4b:s21+s3] =	stream.linear.scatter [tilespmem:s16], [sflag:$0x2], $0x60, $0x38;
	[tilespmem:$0x400] =	vst v63  }
0x34: {  	p0 =	sne.s32 s23, $0x1;
	_ =	swait.ge [sflag:s4], $0x60  }
.Ltmp0:
0x35: {  	[sflag:s4] =	ssyncset.done $0x0;
	(pc) =	sbr.rel @!p0 .LBB2_2-.Ltmp0, $4  }
0x36: {  	s22 =	sadd.s32 s25, s24;
	[sflag:s4] =	ssyncadd.s32 $0xFFFFFFA0  }
0x37: {  	[hbm4b:s22+s3] =	stream.linear.scatter [tilespmem:s17], [sflag:$0x2], $0x68, $0x38;
	[tilespmem:$0x400] =	vst v63  }
0x38: {  	_ =	swait.ge [sflag:s4], $0x68  }
0x39: {  	s23 =	sadd.s32 $0xFFFFFFFF, s23;
	[sflag:s4] =	ssyncset.done $0x0  }
.LBB2_1:
0x3a: {  	p0 =	sne.s32 s23, $0x1;
	s23 =	sadd.s32 $0xFFFFFFFF, s23;
	[sflag:s4] =	ssyncadd.s32 $0xFFFFFF98  }
0x3b: {  	[tilespmem:s3], [sflag:$0x2] =	stream.linear.gather [hbm4b:s5+s3], $0x60, $0x38;
	[tilespmem:$0x400] =	vst v63  }
0x3c: {  	_ =	swait.ge [sflag:s4], $0x60  }
0x3d: {  	[sflag:s4] =	ssyncset.done $0x0  }
0x3e: {  	[sflag:s4] =	ssyncadd.s32 $0xFFFFFFA0  }
0x3f: {  	[tilespmem:s7], [sflag:$0x2] =	stream.linear.gather [hbm4b:s6+s3], $0x68, $0x38;
	[tilespmem:$0x400] =	vst v63  }
0x40: {  	_ =	swait.ge [sflag:s4], $0x68  }
0x41: {  	[sflag:s4] =	ssyncset.done $0x0  }
0x42: {  	[sflag:s4] =	ssyncadd.s32 $0xFFFFFF98  }
0x43: {  	[tilespmem:s9], [sflag:$0x2] =	stream.linear.gather [hbm4b:s8+s3], $0x60, $0x38;
	[tilespmem:$0x400] =	vst v63  }
0x44: {  	_ =	swait.ge [sflag:s4], $0x60  }
0x45: {  	[sflag:s4] =	ssyncset.done $0x0  }
0x46: {  	[sflag:s4] =	ssyncadd.s32 $0xFFFFFFA0  }
0x47: {  	[tilespmem:s11], [sflag:$0x2] =	stream.linear.gather [hbm4b:s10+s3], $0x68, $0x38;
	[tilespmem:$0x400] =	vst v63  }
0x48: {  	_ =	swait.ge [sflag:s4], $0x68  }
0x49: {  	[sflag:s4] =	ssyncset.done $0x0  }
0x4a: {  	[sflag:s4] =	ssyncadd.s32 $0xFFFFFF98  }
0x4b: {  	[tilespmem:s13], [sflag:$0x1] =	stream.indirect.gather [hbm4b:s2+s12], $0x1, s3, s12, $0xb8;
	[tilespmem:$0x400] =	vst v63  }
0x4c: {  	_ = 	snop  }
0x4d: {  	[tilespmem:s15], [sflag:$0x1] =	stream.indirect.gather [hbm4b:s2+s14], $0x1, s7, s14, $0xb8;
	[tilespmem:$0x400] =	vst v63  }
0x4e: {  	_ = 	snop  }
0x4f: {  	[tilespmem:s16], [sflag:$0x1] =	stream.indirect.gather [hbm4b:s2+s12], $0x1, s9, s12, $0xb8;
	[tilespmem:$0x400] =	vst v63  }
0x50: {  	_ = 	snop  }
0x51: {  	[tilespmem:s17], [sflag:$0x1] =	stream.indirect.gather [hbm4b:s2+s14], $0x1, s11, s14, $0xb8;
	[tilespmem:$0x400] =	vst v63  }
0x52: {  	_ =	swait.ge [sflag:s18], $0x60  }
0x53: {  	[sflag:s18] =	ssyncset.done $0x0  }
0x54: {  	[sflag:s18] =	ssyncadd.s32 $0xFFFFFFA0  }
0x55: {  	_ =	swait.ge [sflag:s18], $0x68  }
0x56: {  	[sflag:s18] =	ssyncset.done $0x0  }
0x57: {  	[sflag:s18] =	ssyncadd.s32 $0xFFFFFF98  }
0x58: {  	_ =	swait.ge [sflag:s18], $0x60  }
0x59: {  	[sflag:s18] =	ssyncset.done $0x0  }
0x5a: {  	[sflag:s18] =	ssyncadd.s32 $0xFFFFFFA0  }
0x5b: {  	_ =	swait.ge [sflag:s18], $0x68  }
0x5c: {  	[sflag:s18] =	ssyncset.done $0x0  }
0x5d: {  	[sflag:s18] =	ssyncadd.s32 $0xFFFFFF98  }
0x5e: {  	[hbm4b:s19+s3] =	stream.linear.scatter [tilespmem:s13], [sflag:$0x2], $0x60, $0x38;
	[tilespmem:$0x400] =	vst v63  }
0x5f: {  	_ =	swait.ge [sflag:s4], $0x60  }
0x60: {  	[sflag:s4] =	ssyncset.done $0x0  }
0x61: {  	[sflag:s4] =	ssyncadd.s32 $0xFFFFFFA0  }
0x62: {  	[hbm4b:s20+s3] =	stream.linear.scatter [tilespmem:s15], [sflag:$0x2], $0x68, $0x38;
	[tilespmem:$0x400] =	vst v63  }
0x63: {  	_ =	swait.ge [sflag:s4], $0x68  }
0x64: {  	[sflag:s4] =	ssyncset.done $0x0  }
0x65: {  	[sflag:s4] =	ssyncadd.s32 $0xFFFFFF98  }
0x66: {  	[hbm4b:s21+s3] =	stream.linear.scatter [tilespmem:s16], [sflag:$0x2], $0x60, $0x38;
	[tilespmem:$0x400] =	vst v63  }
0x67: {  	_ =	swait.ge [sflag:s4], $0x60  }
.Ltmp1:
0x68: {  	[sflag:s4] =	ssyncset.done $0x0;
	(pc) =	sbr.rel @p0 .LBB2_1-.Ltmp1, $4  }
0x69: {  	[sflag:s4] =	ssyncadd.s32 $0xFFFFFFA0  }
0x6a: {  	[hbm4b:s22+s3] =	stream.linear.scatter [tilespmem:s17], [sflag:$0x2], $0x68, $0x38;
	[tilespmem:$0x400] =	vst v63  }
0x6b: {  	_ =	swait.ge [sflag:s4], $0x68  }
0x6c: {  	[sflag:s4] =	ssyncset.done $0x0  }
.LBB2_2:
0x6d: {  	[sflag:s4] =	ssyncadd.s32 $0xFFFFFF98  }
0x6e: {  	_ =	sfence.sel $0x180000  }
0x6f: {  	[bflag:$0x0] =	sbarrier.arrive $0xFFFF  }
0x70: {  	p0 =	sne.s32 s0, $0x0;
	_ =	strace $0x90000047  }
0x71: {  	s0 =	sadd.s32 @!p0 $0x100000, s1;
	[bflag:$0x2] =	sbarrier.arrive $0xFFFF  }
0x72: {  	[sflag:s0] =	ssyncadd.tile.s32 @!p0 $0x1;
	_ =	shalt  }
.Lfunc_end2:
_tile_overlayer_lowered:
.L_overlay_start_2:
0x73: {  	(tag) =	ssettag $0x2  }
0x74: {  	s0 =	rddreg [dreg:$0x0];
	s2 =	stileid.u32  }
0x75: {  	s1 =	rddreg [dreg:$0x1];
	p0 =	sne.s32 s2, $0x0  }
0x76: {  	s3 =	rddreg [dreg:$0x2];
	[bflag:$0x3] =	sbarrier.arrive $0xFFFF;
	s2 =	simm.s32 @!p0 $0x1C02  }
0x77: {  	[timem:s3], [sflag:s2] =	dma.local @!p0 [hbm:s0], s1  }
0x78: {  	s0 =	simm.s32 @!p0 $0x2  }
0x79: {  	_ =	swait.ge @!p0 [sflag:s0], s1  }
0x7a: {  	s1 =	ssub.s32 @!p0 $0x0, s1;
	[sflag:s0] =	ssyncset.done @!p0 $0x0  }
0x7b: {  	[sflag:s0] =	ssyncadd.s32 @!p0 s1  }
0x7c: {  	[bflag:$0x3] =	sbarrier.arrive $0xFFFF  }
0x7d: {  	_ =	shalt  }

</sc_bundles>
